<compile_context>
chip_gen: v7x
topology: tpu7x:2x2x1
jax: 0.10.2.dev20260603
libtpu: 0.0.44.dev20260713+nightly
codegen_flags: <defaults>
</compile_context>

<pallas_src>
import functools

import jax
import jax.numpy as jnp
from jax import lax
from jax.experimental import pallas as pl
from jax.experimental.pallas import tpu as pltpu, tpu_sc as plsc

_N_TOKENS = 65536
_NUM_CODES = 1024
_CODE_DIM = 32
_BETA = 0.25
_BLK = 512
_CHUNK = 128
_NCHUNKS = _NUM_CODES // _CHUNK
_GCHUNK = 1024


def _vq_body(z_ref, c_ref, zsq_ref, csq_ref, idx_ref, idxe_ref, part_ref):
    z = z_ref[:]
    c = c_ref[:]
    dots2 = jax.lax.dot_general(
        z * (-2.0), c, (((1,), (1,)), ((), ())),
        preferred_element_type=jnp.float32)
    zsq = zsq_ref[:][:, None]
    csq = csq_ref[:]

    best_val = (zsq + csq[None, 0:_CHUNK]) + dots2[:, 0:_CHUNK]
    best_k = jnp.zeros((_BLK, _CHUNK), jnp.float32)
    for k in range(1, _NCHUNKS):
        lo = k * _CHUNK
        dk = (zsq + csq[None, lo:lo + _CHUNK]) + dots2[:, lo:lo + _CHUNK]
        m = dk < best_val
        best_val = jnp.where(m, dk, best_val)
        best_k = jnp.where(m, float(k), best_k)

    gmin = jnp.min(best_val, axis=1, keepdims=True)
    lane = jax.lax.broadcasted_iota(
        jnp.int32, (_BLK, _CHUNK), 1).astype(jnp.float32)
    orig = best_k * float(_CHUNK) + lane
    cand = jnp.where(best_val == gmin, orig, float(_NUM_CODES))
    idxf = jnp.min(cand, axis=1)
    idx_ref[:] = idxf.astype(jnp.int32)
    idxe_ref[:] = (
        idxf[:, None] * float(_CODE_DIM)
        + jax.lax.broadcasted_iota(
            jnp.int32, (_BLK, _CODE_DIM), 1).astype(jnp.float32)
    ).astype(jnp.int32)
    part_ref[...] = jnp.sum(gmin).reshape(1, 1, 1)


def _sc_gather(codebook_flat, idxe):
    n_el = _N_TOKENS * _CODE_DIM
    info = plsc.get_sparse_core_info()
    nw = info.num_cores * info.num_subcores
    e_per_w = n_el // nw
    chunk = _GCHUNK * _CODE_DIM
    mesh = plsc.VectorSubcoreMesh(core_axis_name="c", subcore_axis_name="s")

    @functools.partial(
        pl.kernel, mesh=mesh,
        out_type=jax.ShapeDtypeStruct((n_el,), jnp.float32),
        scratch_types=[
            pltpu.VMEM((chunk,), jnp.int32),
            pltpu.VMEM((chunk,), jnp.float32),
            pltpu.VMEM_SHARED((_NUM_CODES * _CODE_DIM,), jnp.float32),
            pltpu.SemaphoreType.DMA,
        ],
    )
    def k(table_hbm, idx_hbm, out_hbm, idx_v, rows_v, cb_sp, sem):
        sid = lax.axis_index("s")
        wid = sid * info.num_cores + lax.axis_index("c")
        base = wid * e_per_w

        @pl.when(sid == 0)
        def _stage():
            pltpu.sync_copy(table_hbm, cb_sp)

        plsc.subcore_barrier()
        for j in range(e_per_w // chunk):
            lo = base + j * chunk
            pltpu.sync_copy(idx_hbm.at[pl.ds(lo, chunk)], idx_v)
            pltpu.async_copy(cb_sp.at[idx_v], rows_v, sem).wait()
            pltpu.sync_copy(rows_v, out_hbm.at[pl.ds(lo, chunk)])

    return k(codebook_flat, idxe)


@jax.jit
def kernel(z, codebook):
    zsq = jnp.sum(z ** 2, axis=1)
    csq = jnp.sum(codebook ** 2, axis=1)
    grid = _N_TOKENS // _BLK
    idx, idxe, part = pl.pallas_call(
        _vq_body,
        grid=(grid,),
        in_specs=[
            pl.BlockSpec((_BLK, _CODE_DIM), lambda i: (i, 0)),
            pl.BlockSpec((_NUM_CODES, _CODE_DIM), lambda i: (0, 0)),
            pl.BlockSpec((_BLK,), lambda i: (i,)),
            pl.BlockSpec((_NUM_CODES,), lambda i: (0,)),
        ],
        out_specs=[
            pl.BlockSpec((_BLK,), lambda i: (i,)),
            pl.BlockSpec((_BLK, _CODE_DIM), lambda i: (i, 0)),
            pl.BlockSpec((1, 1, 1), lambda i: (i, 0, 0)),
        ],
        out_shape=[
            jax.ShapeDtypeStruct((_N_TOKENS,), jnp.int32),
            jax.ShapeDtypeStruct((_N_TOKENS, _CODE_DIM), jnp.int32),
            jax.ShapeDtypeStruct((grid, 1, 1), jnp.float32),
        ],
        compiler_params=pltpu.CompilerParams(
            dimension_semantics=("parallel",)),
    )(z, codebook, zsq, csq)
    zq = _sc_gather(codebook.reshape(_NUM_CODES * _CODE_DIM),
                    idxe.reshape(_N_TOKENS * _CODE_DIM)
                    ).reshape(_N_TOKENS, _CODE_DIM)
    m = jnp.sum(part) / (_N_TOKENS * _CODE_DIM)
    loss = _BETA * m + m
    return (zq, idx, loss)

# --- scband reference (transcript-rebuilt; emitter-appended) ---
"""Pipeline reference for scband-vector-quantizer-82703890252202 (READ-ONLY COPY).

The authoritative reference and input builder live on the scoring server;
editing this copy changes nothing except your own understanding.
"""

import jax, jax.numpy as jnp
import numpy as np

NUM_CODES = 1024
CODE_DIM = 32
BETA = 0.25
N_TOKENS = 65536


def setup_inputs(seed: int = 0) -> dict:
    key = jax.random.key(seed)
    k1, k2 = jax.random.split(key)
    z = jax.random.normal(k1, (N_TOKENS, CODE_DIM), dtype=jnp.float32)
    codebook = jax.random.uniform(
        k2, (NUM_CODES, CODE_DIM), dtype=jnp.float32,
        minval=-1.0 / NUM_CODES, maxval=1.0 / NUM_CODES)
    return {"z": z, "codebook": codebook}


def reference(z, codebook):
    # pairwise squared distances: ||z||^2 + ||c||^2 - 2 z c^T
    d = (jnp.sum(z ** 2, axis=1, keepdims=True)
         + jnp.sum(codebook ** 2, axis=1)
         - 2.0 * jnp.matmul(z, codebook.T))
    indices = jnp.argmin(d, axis=1)
    z_q = jnp.take(codebook, indices, axis=0)
    commit_loss = BETA * jnp.mean((jax.lax.stop_gradient(z) - z_q) ** 2)
    codebook_loss = jnp.mean((z - jax.lax.stop_gradient(z_q)) ** 2)
    z_st = z + jax.lax.stop_gradient(z_q - z)
    return (z_st, indices, commit_loss + codebook_loss)

if __name__ == "__main__":
    import jax
    _d = setup_inputs()
    print(jax.jit(kernel)(*tuple(_d.values())))

</pallas_src>

<mosaic_0001>
#map = affine_map<(d0, d1) -> (0)>
module attributes {stable_mosaic.version = 14 : i64} {
  func.func @k(%arg0: i32, %arg1: i32, %arg2: memref<32768xf32, #tpu.memory_space<hbm>>, %arg3: memref<2097152xi32, #tpu.memory_space<hbm>>, %arg4: memref<2097152xf32, #tpu.memory_space<hbm>>, %arg5: memref<32768xi32, #tpu.memory_space<vmem>>, %arg6: memref<32768xf32, #tpu.memory_space<vmem>>, %arg7: memref<32768xf32, #tpu.memory_space<vmem_shared>>, %arg8: memref<!tpu.dma_semaphore, #tpu.memory_space<semaphore_mem>>) attributes {dimension_semantics = [#tpu.dimension_semantics<core_parallel>, #tpu.dimension_semantics<subcore_parallel>], iteration_bounds = array<i64: 2, 16>, scalar_prefetch = 0 : i64, scratch_operands = 4 : i64, tpu.core_type = #tpu.core_type<sc_vector_subcore>, window_params = [{transform_indices = #map}, {transform_indices = #map}, {transform_indices = #map}]} {
    %mul3A = arith.constant 2 : i32
    %mul3A_0 = arith.muli %arg1, %mul3A : i32
    %add3A = arith.addi %mul3A_0, %arg0 : i32
    %mul3A_1 = arith.constant 65536 : i32
    %mul3A_2 = arith.muli %add3A, %mul3A_1 : i32
    %eq3A = arith.constant 0 : i32
    %eq3A_3 = arith.cmpi eq, %arg1, %eq3A : i32
    %convert_element_type3A = arith.extui %eq3A_3 : i1 to i32
    %cond3A = arith.constant 0 : i32
    %cond3A_4 = arith.cmpi ne, %convert_element_type3A, %cond3A : i32
    scf.if %cond3A_4 {
      "tpu.region"() ({
        %run_scoped3A = tpu.sem_alloc : memref<!tpu.dma_semaphore, #tpu.memory_space<semaphore_mem>>
        tpu.enqueue_dma source(%arg2 : memref<32768xf32, #tpu.memory_space<hbm>>) target(%arg7 : memref<32768xf32, #tpu.memory_space<vmem_shared>>) target_semaphore(%run_scoped3A : memref<!tpu.dma_semaphore, #tpu.memory_space<semaphore_mem>>)
        tpu.wait_dma2 semaphore(%run_scoped3A : memref<!tpu.dma_semaphore, #tpu.memory_space<semaphore_mem>>) src(%arg2 : memref<32768xf32, #tpu.memory_space<hbm>>) dst(%arg7 : memref<32768xf32, #tpu.memory_space<vmem_shared>>)
        tpu.yield
      }) : () -> ()
    } else {
    }
    %barrier3A = arith.constant 0 : index
    tpu.barrier barrier_id(%barrier3A)
    %add3A_5 = arith.constant 0 : i32
    %add3A_6 = arith.addi %mul3A_2, %add3A_5 : i32
    "tpu.region"() ({
      %run_scoped3A = tpu.sem_alloc : memref<!tpu.dma_semaphore, #tpu.memory_space<semaphore_mem>>
      %dma_start3A_15 = tpu.memref_slice %arg3[%add3A_6] : memref<2097152xi32, #tpu.memory_space<hbm>> -> memref<32768xi32, #tpu.memory_space<hbm>>
      %dma_start3A_16 = tpu.memref_slice %arg3[%add3A_6] : memref<2097152xi32, #tpu.memory_space<hbm>> -> memref<32768xi32, #tpu.memory_space<hbm>>
      tpu.enqueue_dma source(%dma_start3A_16 : memref<32768xi32, #tpu.memory_space<hbm>>) target(%arg5 : memref<32768xi32, #tpu.memory_space<vmem>>) target_semaphore(%run_scoped3A : memref<!tpu.dma_semaphore, #tpu.memory_space<semaphore_mem>>)
      %dma_wait3A_17 = tpu.memref_slice %arg3[%add3A_6] : memref<2097152xi32, #tpu.memory_space<hbm>> -> memref<32768xi32, #tpu.memory_space<hbm>>
      %dma_wait3A_18 = tpu.memref_slice %arg3[%add3A_6] : memref<2097152xi32, #tpu.memory_space<hbm>> -> memref<32768xi32, #tpu.memory_space<hbm>>
      tpu.wait_dma2 semaphore(%run_scoped3A : memref<!tpu.dma_semaphore, #tpu.memory_space<semaphore_mem>>) src(%dma_wait3A_18 : memref<32768xi32, #tpu.memory_space<hbm>>) dst(%arg5 : memref<32768xi32, #tpu.memory_space<vmem>>)
      tpu.yield
    }) : () -> ()
    %dma_start3A = arith.constant 0 : i32
    %dma_start3A_7 = tpu.memref_slice %arg7[%dma_start3A] : memref<32768xf32, #tpu.memory_space<vmem_shared>> -> memref<32768xf32, #tpu.memory_space<vmem_shared>>
    tpu.enqueue_indirect_dma source(%dma_start3A_7 : memref<32768xf32, #tpu.memory_space<vmem_shared>>) target(%arg6 : memref<32768xf32, #tpu.memory_space<vmem>>) offsets(%arg5 : memref<32768xi32, #tpu.memory_space<vmem>>) semaphore(%arg8 : memref<!tpu.dma_semaphore, #tpu.memory_space<semaphore_mem>>)
    %dma_wait3A = arith.constant 0 : i32
    %dma_wait3A_8 = tpu.memref_slice %arg7[%dma_wait3A] : memref<32768xf32, #tpu.memory_space<vmem_shared>> -> memref<32768xf32, #tpu.memory_space<vmem_shared>>
    tpu.wait_indirect_dma semaphore(%arg8 : memref<!tpu.dma_semaphore, #tpu.memory_space<semaphore_mem>>) src(%dma_wait3A_8 : memref<32768xf32, #tpu.memory_space<vmem_shared>>) dst(%arg6 : memref<32768xf32, #tpu.memory_space<vmem>>)
    "tpu.region"() ({
      %run_scoped3A = tpu.sem_alloc : memref<!tpu.dma_semaphore, #tpu.memory_space<semaphore_mem>>
      %dma_start3A_15 = tpu.memref_slice %arg4[%add3A_6] : memref<2097152xf32, #tpu.memory_space<hbm>> -> memref<32768xf32, #tpu.memory_space<hbm>>
      %dma_start3A_16 = tpu.memref_slice %arg4[%add3A_6] : memref<2097152xf32, #tpu.memory_space<hbm>> -> memref<32768xf32, #tpu.memory_space<hbm>>
      tpu.enqueue_dma source(%arg6 : memref<32768xf32, #tpu.memory_space<vmem>>) target(%dma_start3A_16 : memref<32768xf32, #tpu.memory_space<hbm>>) target_semaphore(%run_scoped3A : memref<!tpu.dma_semaphore, #tpu.memory_space<semaphore_mem>>)
      %dma_wait3A_17 = tpu.memref_slice %arg4[%add3A_6] : memref<2097152xf32, #tpu.memory_space<hbm>> -> memref<32768xf32, #tpu.memory_space<hbm>>
      %dma_wait3A_18 = tpu.memref_slice %arg4[%add3A_6] : memref<2097152xf32, #tpu.memory_space<hbm>> -> memref<32768xf32, #tpu.memory_space<hbm>>
      tpu.wait_dma2 semaphore(%run_scoped3A : memref<!tpu.dma_semaphore, #tpu.memory_space<semaphore_mem>>) src(%arg6 : memref<32768xf32, #tpu.memory_space<vmem>>) dst(%dma_wait3A_18 : memref<32768xf32, #tpu.memory_space<hbm>>)
      tpu.yield
    }) : () -> ()
    %add3A_9 = arith.constant 32768 : i32
    %add3A_10 = arith.addi %mul3A_2, %add3A_9 : i32
    "tpu.region"() ({
      %run_scoped3A = tpu.sem_alloc : memref<!tpu.dma_semaphore, #tpu.memory_space<semaphore_mem>>
      %dma_start3A_15 = tpu.memref_slice %arg3[%add3A_10] : memref<2097152xi32, #tpu.memory_space<hbm>> -> memref<32768xi32, #tpu.memory_space<hbm>>
      %dma_start3A_16 = tpu.memref_slice %arg3[%add3A_10] : memref<2097152xi32, #tpu.memory_space<hbm>> -> memref<32768xi32, #tpu.memory_space<hbm>>
      tpu.enqueue_dma source(%dma_start3A_16 : memref<32768xi32, #tpu.memory_space<hbm>>) target(%arg5 : memref<32768xi32, #tpu.memory_space<vmem>>) target_semaphore(%run_scoped3A : memref<!tpu.dma_semaphore, #tpu.memory_space<semaphore_mem>>)
      %dma_wait3A_17 = tpu.memref_slice %arg3[%add3A_10] : memref<2097152xi32, #tpu.memory_space<hbm>> -> memref<32768xi32, #tpu.memory_space<hbm>>
      %dma_wait3A_18 = tpu.memref_slice %arg3[%add3A_10] : memref<2097152xi32, #tpu.memory_space<hbm>> -> memref<32768xi32, #tpu.memory_space<hbm>>
      tpu.wait_dma2 semaphore(%run_scoped3A : memref<!tpu.dma_semaphore, #tpu.memory_space<semaphore_mem>>) src(%dma_wait3A_18 : memref<32768xi32, #tpu.memory_space<hbm>>) dst(%arg5 : memref<32768xi32, #tpu.memory_space<vmem>>)
      tpu.yield
    }) : () -> ()
    %dma_start3A_11 = arith.constant 0 : i32
    %dma_start3A_12 = tpu.memref_slice %arg7[%dma_start3A_11] : memref<32768xf32, #tpu.memory_space<vmem_shared>> -> memref<32768xf32, #tpu.memory_space<vmem_shared>>
    tpu.enqueue_indirect_dma source(%dma_start3A_12 : memref<32768xf32, #tpu.memory_space<vmem_shared>>) target(%arg6 : memref<32768xf32, #tpu.memory_space<vmem>>) offsets(%arg5 : memref<32768xi32, #tpu.memory_space<vmem>>) semaphore(%arg8 : memref<!tpu.dma_semaphore, #tpu.memory_space<semaphore_mem>>)
    %dma_wait3A_13 = arith.constant 0 : i32
    %dma_wait3A_14 = tpu.memref_slice %arg7[%dma_wait3A_13] : memref<32768xf32, #tpu.memory_space<vmem_shared>> -> memref<32768xf32, #tpu.memory_space<vmem_shared>>
    tpu.wait_indirect_dma semaphore(%arg8 : memref<!tpu.dma_semaphore, #tpu.memory_space<semaphore_mem>>) src(%dma_wait3A_14 : memref<32768xf32, #tpu.memory_space<vmem_shared>>) dst(%arg6 : memref<32768xf32, #tpu.memory_space<vmem>>)
    "tpu.region"() ({
      %run_scoped3A = tpu.sem_alloc : memref<!tpu.dma_semaphore, #tpu.memory_space<semaphore_mem>>
      %dma_start3A_15 = tpu.memref_slice %arg4[%add3A_10] : memref<2097152xf32, #tpu.memory_space<hbm>> -> memref<32768xf32, #tpu.memory_space<hbm>>
      %dma_start3A_16 = tpu.memref_slice %arg4[%add3A_10] : memref<2097152xf32, #tpu.memory_space<hbm>> -> memref<32768xf32, #tpu.memory_space<hbm>>
      tpu.enqueue_dma source(%arg6 : memref<32768xf32, #tpu.memory_space<vmem>>) target(%dma_start3A_16 : memref<32768xf32, #tpu.memory_space<hbm>>) target_semaphore(%run_scoped3A : memref<!tpu.dma_semaphore, #tpu.memory_space<semaphore_mem>>)
      %dma_wait3A_17 = tpu.memref_slice %arg4[%add3A_10] : memref<2097152xf32, #tpu.memory_space<hbm>> -> memref<32768xf32, #tpu.memory_space<hbm>>
      %dma_wait3A_18 = tpu.memref_slice %arg4[%add3A_10] : memref<2097152xf32, #tpu.memory_space<hbm>> -> memref<32768xf32, #tpu.memory_space<hbm>>
      tpu.wait_dma2 semaphore(%run_scoped3A : memref<!tpu.dma_semaphore, #tpu.memory_space<semaphore_mem>>) src(%arg6 : memref<32768xf32, #tpu.memory_space<vmem>>) dst(%dma_wait3A_18 : memref<32768xf32, #tpu.memory_space<hbm>>)
      tpu.yield
    }) : () -> ()
    return
  }
}

module attributes {stable_mosaic.version = 14 : i64} {
  func.func @_vq_body(%arg0: i32, %arg1: memref<512x32xf32, #tpu.memory_space<vmem>>, %arg2: memref<1024x32xf32, #tpu.memory_space<vmem>>, %arg3: memref<512xf32, #tpu.memory_space<vmem>>, %arg4: memref<1024xf32, #tpu.memory_space<vmem>>, %arg5: memref<512xi32, #tpu.memory_space<vmem>>, %arg6: memref<512x32xi32, #tpu.memory_space<vmem>>, %arg7: memref<1x1x1xf32, #tpu.memory_space<vmem>>) attributes {dimension_semantics = [#tpu.dimension_semantics<parallel>], iteration_bounds = array<i64: 128>, scalar_prefetch = 0 : i64, scratch_operands = 0 : i64, tpu.core_type = #tpu.core_type<tc>, window_params = [{transform_indices = @transform_0, window_bounds = array<i64: 512, 32>}, {pipeline_mode = #tpu.pipeline_mode<synchronous>, transform_indices = @transform_1, window_bounds = array<i64: 1024, 32>}, {transform_indices = @transform_2, window_bounds = array<i64: 512>}, {pipeline_mode = #tpu.pipeline_mode<synchronous>, transform_indices = @transform_3, window_bounds = array<i64: 1024>}, {transform_indices = @transform_4, window_bounds = array<i64: 512>}, {transform_indices = @transform_5, window_bounds = array<i64: 512, 32>}, {transform_indices = @transform_6, window_bounds = array<i64: 1, 1, 1>}]} {
    %get3A = arith.constant 0 : index
    %get3A_0 = arith.constant 0 : index
    %get3A_1 = vector.load %arg1[%get3A, %get3A_0] : memref<512x32xf32, #tpu.memory_space<vmem>>, vector<512x32xf32>
    %get3A_2 = arith.constant 0 : index
    %get3A_3 = arith.constant 0 : index
    %get3A_4 = vector.load %arg2[%get3A_2, %get3A_3] : memref<1024x32xf32, #tpu.memory_space<vmem>>, vector<1024x32xf32>
    %mul3A = arith.constant -2.000000e+00 : f32
    %mul3A_5 = vector.broadcast %mul3A : f32 to vector<512x32xf32>
    %mul3A_6 = arith.mulf %get3A_1, %mul3A_5 : vector<512x32xf32>
    %dot_general3A = arith.constant dense<0.000000e+00> : vector<512x1024xf32>
    %dot_general3A_7 = tpu.matmul %mul3A_6, %get3A_4, %dot_general3A {dimension_numbers = #tpu.dot_dimension_numbers<[1], [1], [0], [0], [0, 0, 1, 0], [], []>, transpose_lhs_hint = false} : vector<512x32xf32>, vector<1024x32xf32>, vector<512x1024xf32> -> vector<512x1024xf32>
    %get3A_8 = arith.constant 0 : index
    %get3A_9 = vector.load %arg3[%get3A_8] : memref<512xf32, #tpu.memory_space<vmem>>, vector<512xf32>
    %broadcast_in_dim3A = vector.shape_cast %get3A_9 : vector<512xf32> to vector<512x1xf32>
    %get3A_10 = arith.constant 0 : index
    %get3A_11 = vector.load %arg4[%get3A_10] : memref<1024xf32, #tpu.memory_space<vmem>>, vector<1024xf32>
    %slice3A = vector.extract_strided_slice %get3A_11 {offsets = [0], sizes = [128], strides = [1]} : vector<1024xf32> to vector<128xf32>
    %broadcast_in_dim3A_12 = vector.shape_cast %slice3A : vector<128xf32> to vector<1x128xf32>
    %add3A = vector.broadcast %broadcast_in_dim3A : vector<512x1xf32> to vector<512x128xf32>
    %add3A_13 = vector.broadcast %broadcast_in_dim3A_12 : vector<1x128xf32> to vector<512x128xf32>
    %add3A_14 = arith.addf %add3A, %add3A_13 : vector<512x128xf32>
    %slice3A_15 = vector.extract_strided_slice %dot_general3A_7 {offsets = [0, 0], sizes = [512, 128], strides = [1, 1]} : vector<512x1024xf32> to vector<512x128xf32>
    %add3A_16 = arith.addf %add3A_14, %slice3A_15 : vector<512x128xf32>
    %broadcast_in_dim3A_17 = arith.constant 0.000000e+00 : f32
    %broadcast_in_dim3A_18 = vector.broadcast %broadcast_in_dim3A_17 : f32 to vector<512x128xf32>
    %slice3A_19 = vector.extract_strided_slice %get3A_11 {offsets = [128], sizes = [128], strides = [1]} : vector<1024xf32> to vector<128xf32>
    %broadcast_in_dim3A_20 = vector.shape_cast %slice3A_19 : vector<128xf32> to vector<1x128xf32>
    %add3A_21 = vector.broadcast %broadcast_in_dim3A : vector<512x1xf32> to vector<512x128xf32>
    %add3A_22 = vector.broadcast %broadcast_in_dim3A_20 : vector<1x128xf32> to vector<512x128xf32>
    %add3A_23 = arith.addf %add3A_21, %add3A_22 : vector<512x128xf32>
    %slice3A_24 = vector.extract_strided_slice %dot_general3A_7 {offsets = [0, 128], sizes = [512, 128], strides = [1, 1]} : vector<512x1024xf32> to vector<512x128xf32>
    %add3A_25 = arith.addf %add3A_23, %slice3A_24 : vector<512x128xf32>
    %lt3A = arith.cmpf olt, %add3A_25, %add3A_16 : vector<512x128xf32>
    %select_n3A = arith.select %lt3A, %add3A_25, %add3A_16 : vector<512x128xi1>, vector<512x128xf32>
    %jit3A = arith.constant 1.000000e+00 : f32
    %broadcast_in_dim3A_26 = vector.broadcast %jit3A : f32 to vector<512x128xf32>
    %select_n3A_27 = arith.select %lt3A, %broadcast_in_dim3A_26, %broadcast_in_dim3A_18 : vector<512x128xi1>, vector<512x128xf32>
    %slice3A_28 = vector.extract_strided_slice %get3A_11 {offsets = [256], sizes = [128], strides = [1]} : vector<1024xf32> to vector<128xf32>
    %broadcast_in_dim3A_29 = vector.shape_cast %slice3A_28 : vector<128xf32> to vector<1x128xf32>
    %add3A_30 = vector.broadcast %broadcast_in_dim3A : vector<512x1xf32> to vector<512x128xf32>
    %add3A_31 = vector.broadcast %broadcast_in_dim3A_29 : vector<1x128xf32> to vector<512x128xf32>
    %add3A_32 = arith.addf %add3A_30, %add3A_31 : vector<512x128xf32>
    %slice3A_33 = vector.extract_strided_slice %dot_general3A_7 {offsets = [0, 256], sizes = [512, 128], strides = [1, 1]} : vector<512x1024xf32> to vector<512x128xf32>
    %add3A_34 = arith.addf %add3A_32, %slice3A_33 : vector<512x128xf32>
    %lt3A_35 = arith.cmpf olt, %add3A_34, %select_n3A : vector<512x128xf32>
    %select_n3A_36 = arith.select %lt3A_35, %add3A_34, %select_n3A : vector<512x128xi1>, vector<512x128xf32>
    %jit3A_37 = arith.constant 2.000000e+00 : f32
    %broadcast_in_dim3A_38 = vector.broadcast %jit3A_37 : f32 to vector<512x128xf32>
    %select_n3A_39 = arith.select %lt3A_35, %broadcast_in_dim3A_38, %select_n3A_27 : vector<512x128xi1>, vector<512x128xf32>
    %slice3A_40 = vector.extract_strided_slice %get3A_11 {offsets = [384], sizes = [128], strides = [1]} : vector<1024xf32> to vector<128xf32>
    %broadcast_in_dim3A_41 = vector.shape_cast %slice3A_40 : vector<128xf32> to vector<1x128xf32>
    %add3A_42 = vector.broadcast %broadcast_in_dim3A : vector<512x1xf32> to vector<512x128xf32>
    %add3A_43 = vector.broadcast %broadcast_in_dim3A_41 : vector<1x128xf32> to vector<512x128xf32>
    %add3A_44 = arith.addf %add3A_42, %add3A_43 : vector<512x128xf32>
    %slice3A_45 = vector.extract_strided_slice %dot_general3A_7 {offsets = [0, 384], sizes = [512, 128], strides = [1, 1]} : vector<512x1024xf32> to vector<512x128xf32>
    %add3A_46 = arith.addf %add3A_44, %slice3A_45 : vector<512x128xf32>
    %lt3A_47 = arith.cmpf olt, %add3A_46, %select_n3A_36 : vector<512x128xf32>
    %select_n3A_48 = arith.select %lt3A_47, %add3A_46, %select_n3A_36 : vector<512x128xi1>, vector<512x128xf32>
    %jit3A_49 = arith.constant 3.000000e+00 : f32
    %broadcast_in_dim3A_50 = vector.broadcast %jit3A_49 : f32 to vector<512x128xf32>
    %select_n3A_51 = arith.select %lt3A_47, %broadcast_in_dim3A_50, %select_n3A_39 : vector<512x128xi1>, vector<512x128xf32>
    %slice3A_52 = vector.extract_strided_slice %get3A_11 {offsets = [512], sizes = [128], strides = [1]} : vector<1024xf32> to vector<128xf32>
    %broadcast_in_dim3A_53 = vector.shape_cast %slice3A_52 : vector<128xf32> to vector<1x128xf32>
    %add3A_54 = vector.broadcast %broadcast_in_dim3A : vector<512x1xf32> to vector<512x128xf32>
    %add3A_55 = vector.broadcast %broadcast_in_dim3A_53 : vector<1x128xf32> to vector<512x128xf32>
    %add3A_56 = arith.addf %add3A_54, %add3A_55 : vector<512x128xf32>
    %slice3A_57 = vector.extract_strided_slice %dot_general3A_7 {offsets = [0, 512], sizes = [512, 128], strides = [1, 1]} : vector<512x1024xf32> to vector<512x128xf32>
    %add3A_58 = arith.addf %add3A_56, %slice3A_57 : vector<512x128xf32>
    %lt3A_59 = arith.cmpf olt, %add3A_58, %select_n3A_48 : vector<512x128xf32>
    %select_n3A_60 = arith.select %lt3A_59, %add3A_58, %select_n3A_48 : vector<512x128xi1>, vector<512x128xf32>
    %jit3A_61 = arith.constant 4.000000e+00 : f32
    %broadcast_in_dim3A_62 = vector.broadcast %jit3A_61 : f32 to vector<512x128xf32>
    %select_n3A_63 = arith.select %lt3A_59, %broadcast_in_dim3A_62, %select_n3A_51 : vector<512x128xi1>, vector<512x128xf32>
    %slice3A_64 = vector.extract_strided_slice %get3A_11 {offsets = [640], sizes = [128], strides = [1]} : vector<1024xf32> to vector<128xf32>
    %broadcast_in_dim3A_65 = vector.shape_cast %slice3A_64 : vector<128xf32> to vector<1x128xf32>
    %add3A_66 = vector.broadcast %broadcast_in_dim3A : vector<512x1xf32> to vector<512x128xf32>
    %add3A_67 = vector.broadcast %broadcast_in_dim3A_65 : vector<1x128xf32> to vector<512x128xf32>
    %add3A_68 = arith.addf %add3A_66, %add3A_67 : vector<512x128xf32>
    %slice3A_69 = vector.extract_strided_slice %dot_general3A_7 {offsets = [0, 640], sizes = [512, 128], strides = [1, 1]} : vector<512x1024xf32> to vector<512x128xf32>
    %add3A_70 = arith.addf %add3A_68, %slice3A_69 : vector<512x128xf32>
    %lt3A_71 = arith.cmpf olt, %add3A_70, %select_n3A_60 : vector<512x128xf32>
    %select_n3A_72 = arith.select %lt3A_71, %add3A_70, %select_n3A_60 : vector<512x128xi1>, vector<512x128xf32>
    %jit3A_73 = arith.constant 5.000000e+00 : f32
    %broadcast_in_dim3A_74 = vector.broadcast %jit3A_73 : f32 to vector<512x128xf32>
    %select_n3A_75 = arith.select %lt3A_71, %broadcast_in_dim3A_74, %select_n3A_63 : vector<512x128xi1>, vector<512x128xf32>
    %slice3A_76 = vector.extract_strided_slice %get3A_11 {offsets = [768], sizes = [128], strides = [1]} : vector<1024xf32> to vector<128xf32>
    %broadcast_in_dim3A_77 = vector.shape_cast %slice3A_76 : vector<128xf32> to vector<1x128xf32>
    %add3A_78 = vector.broadcast %broadcast_in_dim3A : vector<512x1xf32> to vector<512x128xf32>
    %add3A_79 = vector.broadcast %broadcast_in_dim3A_77 : vector<1x128xf32> to vector<512x128xf32>
    %add3A_80 = arith.addf %add3A_78, %add3A_79 : vector<512x128xf32>
    %slice3A_81 = vector.extract_strided_slice %dot_general3A_7 {offsets = [0, 768], sizes = [512, 128], strides = [1, 1]} : vector<512x1024xf32> to vector<512x128xf32>
    %add3A_82 = arith.addf %add3A_80, %slice3A_81 : vector<512x128xf32>
    %lt3A_83 = arith.cmpf olt, %add3A_82, %select_n3A_72 : vector<512x128xf32>
    %select_n3A_84 = arith.select %lt3A_83, %add3A_82, %select_n3A_72 : vector<512x128xi1>, vector<512x128xf32>
    %jit3A_85 = arith.constant 6.000000e+00 : f32
    %broadcast_in_dim3A_86 = vector.broadcast %jit3A_85 : f32 to vector<512x128xf32>
    %select_n3A_87 = arith.select %lt3A_83, %broadcast_in_dim3A_86, %select_n3A_75 : vector<512x128xi1>, vector<512x128xf32>
    %slice3A_88 = vector.extract_strided_slice %get3A_11 {offsets = [896], sizes = [128], strides = [1]} : vector<1024xf32> to vector<128xf32>
    %broadcast_in_dim3A_89 = vector.shape_cast %slice3A_88 : vector<128xf32> to vector<1x128xf32>
    %add3A_90 = vector.broadcast %broadcast_in_dim3A : vector<512x1xf32> to vector<512x128xf32>
    %add3A_91 = vector.broadcast %broadcast_in_dim3A_89 : vector<1x128xf32> to vector<512x128xf32>
    %add3A_92 = arith.addf %add3A_90, %add3A_91 : vector<512x128xf32>
    %slice3A_93 = vector.extract_strided_slice %dot_general3A_7 {offsets = [0, 896], sizes = [512, 128], strides = [1, 1]} : vector<512x1024xf32> to vector<512x128xf32>
    %add3A_94 = arith.addf %add3A_92, %slice3A_93 : vector<512x128xf32>
    %lt3A_95 = arith.cmpf olt, %add3A_94, %select_n3A_84 : vector<512x128xf32>
    %select_n3A_96 = arith.select %lt3A_95, %add3A_94, %select_n3A_84 : vector<512x128xi1>, vector<512x128xf32>
    %jit3A_97 = arith.constant 7.000000e+00 : f32
    %broadcast_in_dim3A_98 = vector.broadcast %jit3A_97 : f32 to vector<512x128xf32>
    %select_n3A_99 = arith.select %lt3A_95, %broadcast_in_dim3A_98, %select_n3A_87 : vector<512x128xi1>, vector<512x128xf32>
    %reduce_min3A = arith.constant dense<0x7F800000> : vector<512xf32>
    %reduce_min3A_100 = vector.multi_reduction <minimumf>, %select_n3A_96, %reduce_min3A [1] : vector<512x128xf32> to vector<512xf32>
    %broadcast_in_dim3A_101 = vector.shape_cast %reduce_min3A_100 : vector<512xf32> to vector<512x1xf32>
    %iota3A = tpu.iota {dimensions = array<i32: 1>} : vector<512x128xi32>
    %convert_element_type3A = arith.sitofp %iota3A : vector<512x128xi32> to vector<512x128xf32>
    %mul3A_102 = arith.constant 1.280000e+02 : f32
    %mul3A_103 = vector.broadcast %mul3A_102 : f32 to vector<512x128xf32>
    %mul3A_104 = arith.mulf %select_n3A_99, %mul3A_103 : vector<512x128xf32>
    %add3A_105 = arith.addf %mul3A_104, %convert_element_type3A : vector<512x128xf32>
    %eq3A = vector.broadcast %broadcast_in_dim3A_101 : vector<512x1xf32> to vector<512x128xf32>
    %eq3A_106 = arith.cmpf oeq, %select_n3A_96, %eq3A : vector<512x128xf32>
    %jit3A_107 = arith.constant 1.024000e+03 : f32
    %broadcast_in_dim3A_108 = vector.broadcast %jit3A_107 : f32 to vector<512x128xf32>
    %select_n3A_109 = arith.select %eq3A_106, %add3A_105, %broadcast_in_dim3A_108 : vector<512x128xi1>, vector<512x128xf32>
    %reduce_min3A_110 = arith.constant dense<0x7F800000> : vector<512xf32>
    %reduce_min3A_111 = vector.multi_reduction <minimumf>, %select_n3A_109, %reduce_min3A_110 [1] : vector<512x128xf32> to vector<512xf32>
    %convert_element_type3A_112 = arith.fptosi %reduce_min3A_111 : vector<512xf32> to vector<512xi32>
    %swap3A = arith.constant 0 : index
    %swap3A_113 = vector.load %arg5[%swap3A] : memref<512xi32, #tpu.memory_space<vmem>>, vector<512xi32>
    tpu.vector_store %arg5[%swap3A], %convert_element_type3A_112 {strides = array<i32>} : memref<512xi32, #tpu.memory_space<vmem>>, vector<512xi32>,
    %broadcast_in_dim3A_114 = vector.shape_cast %reduce_min3A_111 : vector<512xf32> to vector<512x1xf32>
    %mul3A_115 = arith.constant 3.200000e+01 : f32
    %mul3A_116 = vector.broadcast %mul3A_115 : f32 to vector<512x1xf32>
    %mul3A_117 = arith.mulf %broadcast_in_dim3A_114, %mul3A_116 : vector<512x1xf32>
    %iota3A_118 = tpu.iota {dimensions = array<i32: 1>} : vector<512x32xi32>
    %convert_element_type3A_119 = arith.sitofp %iota3A_118 : vector<512x32xi32> to vector<512x32xf32>
    %add3A_120 = vector.broadcast %mul3A_117 : vector<512x1xf32> to vector<512x32xf32>
    %add3A_121 = arith.addf %add3A_120, %convert_element_type3A_119 : vector<512x32xf32>
    %convert_element_type3A_122 = arith.fptosi %add3A_121 : vector<512x32xf32> to vector<512x32xi32>
    %swap3A_123 = arith.constant 0 : index
    %swap3A_124 = arith.constant 0 : index
    %swap3A_125 = vector.load %arg6[%swap3A_123, %swap3A_124] : memref<512x32xi32, #tpu.memory_space<vmem>>, vector<512x32xi32>
    tpu.vector_store %arg6[%swap3A_123, %swap3A_124], %convert_element_type3A_122 {strides = array<i32>} : memref<512x32xi32, #tpu.memory_space<vmem>>, vector<512x32xi32>,
    %reduce_sum3A = vector.shape_cast %broadcast_in_dim3A_101 : vector<512x1xf32> to vector<1x512x1xf32>
    %reduce_sum3A_126 = arith.constant dense<0.000000e+00> : vector<1xf32>
    %reduce_sum3A_127 = vector.multi_reduction <add>, %reduce_sum3A, %reduce_sum3A_126 [1, 2] : vector<1x512x1xf32> to vector<1xf32>
    %reduce_sum3A_128 = vector.shape_cast %reduce_sum3A_127 : vector<1xf32> to vector<1x1x1xf32>
    %reduce_sum3A_129 = vector.extract %reduce_sum3A_128[0, 0, 0] : f32 from vector<1x1x1xf32>
    %reshape3A = vector.broadcast %reduce_sum3A_129 : f32 to vector<1x1x1xf32>
    %swap3A_130 = arith.constant 0 : index
    %swap3A_131 = arith.constant 0 : index
    %swap3A_132 = arith.constant 0 : index
    %swap3A_133 = vector.load %arg7[%swap3A_130, %swap3A_131, %swap3A_132] : memref<1x1x1xf32, #tpu.memory_space<vmem>>, vector<1x1x1xf32>
    tpu.vector_store %arg7[%swap3A_130, %swap3A_131, %swap3A_132], %reshape3A {strides = array<i32>} : memref<1x1x1xf32, #tpu.memory_space<vmem>>, vector<1x1x1xf32>,
    return
  }
  func.func @transform_0(%arg0: i32) -> (i32, i32) {
    %c0_i32 = arith.constant 0 : i32
    %c0_i32_0 = arith.constant 0 : i32
    return %arg0, %c0_i32 : i32, i32
  }
  func.func @transform_1(%arg0: i32) -> (i32, i32) {
    %c0_i32 = arith.constant 0 : i32
    %c0_i32_0 = arith.constant 0 : i32
    %c0_i32_1 = arith.constant 0 : i32
    return %c0_i32, %c0_i32_0 : i32, i32
  }
  func.func @transform_2(%arg0: i32) -> i32 {
    %c0_i32 = arith.constant 0 : i32
    return %arg0 : i32
  }
  func.func @transform_3(%arg0: i32) -> i32 {
    %c0_i32 = arith.constant 0 : i32
    %c0_i32_0 = arith.constant 0 : i32
    return %c0_i32 : i32
  }
  func.func @transform_4(%arg0: i32) -> i32 {
    %c0_i32 = arith.constant 0 : i32
    return %arg0 : i32
  }
  func.func @transform_5(%arg0: i32) -> (i32, i32) {
    %c0_i32 = arith.constant 0 : i32
    %c0_i32_0 = arith.constant 0 : i32
    return %arg0, %c0_i32 : i32, i32
  }
  func.func @transform_6(%arg0: i32) -> (i32, i32, i32) {
    %c0_i32 = arith.constant 0 : i32
    %c0_i32_0 = arith.constant 0 : i32
    %c0_i32_1 = arith.constant 0 : i32
    return %arg0, %c0_i32, %c0_i32_0 : i32, i32, i32
  }
}

</mosaic_0001>

<sc_bundles>
// kernel: kernel.4.cloned.1.call-start
scs
__scs_entry_jumppad:
0x0: {  	(pc) =	sbr.rel $0x88, $3  }
0x1: {  	(tag) =	ssettag $0x0;
	lr =	simm.s32 $0x1  }
0x2: {  	[smem:$0x3F9F] =	sst lr;
	_ =	strace $0xD0000000  }
0x3: {  	_ = 	snop  }
0x4: {  	_ = 	snop  }
0x5: {  	_ = 	snop  }
0x6: {  	_ = 	snop  }
0x7: {  	_ = 	snop  }
__scs_overlays_trampoline_lowered:
0x8: {  	[smem:$0x3FAE] =	sst s0  }
0x9: {  	[smem:$0x3FAF] =	sst s1  }
0xa: {  	[smem:$0x3FB0] =	sst s2  }
0xb: {  	[smem:$0x3FB1] =	sst s3  }
0xc: {  	[smem:$0x3FB2] =	sst s4  }
0xd: {  	[smem:$0x3FB3] =	sst s5  }
0xe: {  	[smem:$0x3FB4] =	sst s6  }
0xf: {  	[smem:$0x3FB5] =	sst s7  }
0x10: {  	[smem:$0x3FB6] =	sst s8  }
0x11: {  	[smem:$0x3FB7] =	sst s9;
	s0 =	simm.s32 @!p0 $0x0  }
0x12: {  	s1 =	sld [smem:$0x3F9D];
	s0 =	simm.s32 @p0 $0x1  }
0x13: {  	[smem:$0x3FB8] =	sst s0;
	s0 =	simm.s32 @!p1 $0x0  }
0x14: {  	s2 =	sld [smem:$0x3F9C];
	s0 =	simm.s32 @p1 $0x1  }
0x15: {  	[smem:$0x3FB9] =	sst s0;
	s0 =	simm.s32 @!p2 $0x0  }
0x16: {  	s3 =	sld [smem:$0x3FDB];
	s0 =	simm.s32 @p2 $0x1  }
0x17: {  	s4 =	simm.s32 $0x1BF5;
	[smem:$0x3FBB] =	sst s0  }
0x18: {  	s0 =	sld [smem:$0x3F9E];
	_ =	swait.ge [sflag:s4], $0x0  }
0x19: {  	s7 =	sld [smem:$0x3F9F]  }
0x1a: {  	s8 =	sadd.s32 $0xFFFFE003, lr  }
0x1b: {  	s9 =	sadd.s32 $0xFFFFFEF7, lr;
	s5 =	simm.s32 $0xFFFFFFFF;
	p2 =	slt.u32 s8, $0xFFFFF086  }
0x1c: {  	p1 =	slt.u32 s9, $0xF7A;
	s5 =	simm.s32 @!p2 $0x0  }
0x1d: {  	s5 =	simm.s32 @p1 $0x1;
	p0 =	seq.s32 s7, s2  }
0x1e: {  	s7 =	smul.u32 @!p0 $0xF7A, s2;
	p2 =	seq.s32 @!p0 s5, $0x0  }
0x1f: {  	s9 =	smul.u32 $0xF7A, s1;
	s8 =	simm.s32 @!p0 $0x1BF5;
	p2 =	por !p2, p0  }
0x20: {  	[sflag:s8] =	ssyncset.s32 @!p0 $0xFFFFF086;
	s6 =	sadd.s32 @!p0 s3, s7;
	s7 =	simm.s32 @!p0 $0x108  }
0x21: {  	s3 =	sadd.s32 s3, s9;
	s6 =	sadd.s32 @!p0 $0x88, s6;
	s7 =	simm.s32 @p2 $0x1082  }
0x22: {  	[simem:s7], [sflag:s8] =	dma.local @!p0 [hbm:s6], $0xF7A  }
0x23: {  	s9 =	sor.u32 $0xD0000000, s2;
	s6 =	simm.s32 $0x108;
	_ =	swait.ge @!p0 [sflag:s8], $0x0  }
0x24: {  	s3 =	sadd.s32 $0x88, s3;
	s6 =	simm.s32 @!p1 $0x1082;
	[sflag:s4] =	ssyncset.s32 $0xFFFFF086  }
0x25: {  	[simem:s6], [sflag:s4] =	dma.local [hbm:s3], $0xF7A  }
0x26: {  	[smem:$0x3F9F] =	sst s1;
	(tag) =	ssettag s2;
	_ =	strace s9  }
0x27: {  	s1 =	sld [smem:$0x3FAF]  }
0x28: {  	s2 =	sld [smem:$0x3FB0]  }
0x29: {  	s4 =	sld [smem:$0x3FB2]  }
0x2a: {  	p0 =	seq.s32 s5, $0x0;
	s5 =	sld [smem:$0x3FB3]  }
0x2b: {  	s6 =	sld [smem:$0x3FB4]  }
0x2c: {  	s7 =	sld [smem:$0x3FB5]  }
0x2d: {  	s3 =	simm.s32 $0x108;
	s8 =	sld [smem:$0x3FB6]  }
0x2e: {  	s3 =	simm.s32 @!p0 $0x1082;
	s9 =	sld [smem:$0x3FB7]  }
0x2f: {  	lr =	sadd.s32 s0, s3;
	s0 =	sld [smem:$0x3FAE]  }
0x30: {  	s3 =	sld [smem:$0x3FB1]  }
0x31: {  	[smem:$0x3FBA] =	sst s10  }
0x32: {  	s10 =	sld [smem:$0x3FB8];
	_ =	sdelay $0x3  }
0x33: {  	p0 =	seq.s32 s10, $0x1;
	s10 =	sld [smem:$0x3FBA];
	_ =	sdelay $0x3  }
0x34: {  	[smem:$0x3FBA] =	sst s10  }
0x35: {  	s10 =	sld [smem:$0x3FB9];
	_ =	sdelay $0x3  }
0x36: {  	p1 =	seq.s32 s10, $0x1;
	s10 =	sld [smem:$0x3FBA];
	_ =	sdelay $0x3  }
0x37: {  	[smem:$0x3FBA] =	sst s10  }
0x38: {  	s10 =	sld [smem:$0x3FBB]  }
0x39: {  	_ = 	snop;
	(pc) =	sbr.ind lr, $3  }
0x3a: {  	_ = 	snop  }
0x3b: {  	_ = 	snop  }
0x3c: {  	p2 =	seq.s32 s10, $0x1;
	s10 =	sld [smem:$0x3FBA]  }
0x3d: {  	_ =	shalt  }
0x3e: {  	_ =	shalt  }
0x3f: {  	_ =	shalt  }
0x40: {  	_ =	shalt  }
0x41: {  	_ =	shalt  }
0x42: {  	_ =	shalt  }
0x43: {  	_ =	shalt  }
0x44: {  	_ =	shalt  }
0x45: {  	_ =	shalt  }
0x46: {  	_ =	shalt  }
0x47: {  	_ =	shalt  }
0x48: {  	_ =	shalt  }
0x49: {  	_ =	shalt  }
0x4a: {  	_ =	shalt  }
0x4b: {  	_ =	shalt  }
0x4c: {  	_ =	shalt  }
0x4d: {  	_ =	shalt  }
0x4e: {  	_ =	shalt  }
0x4f: {  	_ =	shalt  }
0x50: {  	_ =	shalt  }
0x51: {  	_ =	shalt  }
0x52: {  	_ =	shalt  }
0x53: {  	_ =	shalt  }
0x54: {  	_ =	shalt  }
0x55: {  	_ =	shalt  }
0x56: {  	_ =	shalt  }
0x57: {  	_ =	shalt  }
0x58: {  	_ =	shalt  }
0x59: {  	_ =	shalt  }
0x5a: {  	_ =	shalt  }
0x5b: {  	_ =	shalt  }
0x5c: {  	_ =	shalt  }
0x5d: {  	_ =	shalt  }
0x5e: {  	_ =	shalt  }
0x5f: {  	_ =	shalt  }
0x60: {  	_ =	shalt  }
0x61: {  	_ =	shalt  }
0x62: {  	_ =	shalt  }
0x63: {  	_ =	shalt  }
0x64: {  	_ =	shalt  }
0x65: {  	_ =	shalt  }
0x66: {  	_ =	shalt  }
0x67: {  	_ =	shalt  }
0x68: {  	_ =	shalt  }
0x69: {  	_ =	shalt  }
0x6a: {  	_ =	shalt  }
0x6b: {  	_ =	shalt  }
0x6c: {  	_ =	shalt  }
0x6d: {  	_ =	shalt  }
0x6e: {  	_ =	shalt  }
0x6f: {  	_ =	shalt  }
0x70: {  	_ =	shalt  }
0x71: {  	_ =	shalt  }
0x72: {  	_ =	shalt  }
0x73: {  	_ =	shalt  }
0x74: {  	_ =	shalt  }
0x75: {  	_ =	shalt  }
0x76: {  	_ =	shalt  }
0x77: {  	_ =	shalt  }
0x78: {  	_ =	shalt  }
0x79: {  	_ =	shalt  }
0x7a: {  	_ =	shalt  }
0x7b: {  	_ =	shalt  }
0x7c: {  	_ =	shalt  }
0x7d: {  	_ =	shalt  }
0x7e: {  	_ =	shalt  }
0x7f: {  	_ =	shalt  }
0x80: {  	_ =	shalt  }
0x81: {  	_ =	shalt  }
0x82: {  	_ =	shalt  }
0x83: {  	_ =	shalt  }
0x84: {  	_ =	shalt  }
0x85: {  	_ =	shalt  }
0x86: {  	_ =	shalt  }
0x87: {  	_ =	shalt  }
.Lfunc_end0:
.L_simem_size_0:
called_computation_lowered:
.L_overlay_start_0:
0x88: {  	s2 =	sld [smem:$0x3FD9]  }
0x89: {  	s3 =	sld [smem:$0x3FFE];
	_ =	sdelay $0x1  }
0x8a: {  	s1 =	srdreg.scid  }
0x8b: {  	s0 =	sand.u32 $0x1, s1  }
0x8c: {  	s14 =	sshll.u32 s0, $0xA;
	s2 =	sadd.s32 s3, s2  }
0x8d: {  	s2 =	sadd.s32 s2, s14  }
0x8e: {  	[smem:$0x3FC6] =	sst s2  }
0x8f: {  	_ = 	snop  }
0x90: {  	s2 =	sld [smem:$0x3FD0];
	_ =	sdelay $0x2  }
0x91: {  	s15 =	simm.s32 $0xA;
	s4 =	simm.s32 $0x10  }
0x92: {  	[smem:s4], [sflag:s15] =	dma.local [hbm:s2], $0x1  }
0x93: {  	_ =	swait.eq [sflag:s15], $0x1  }
0x94: {  	[sflag:s15] =	ssyncset.done $0x0  }
0x95: {  	[sflag:s15] =	ssyncadd.s32 $0xFFFFFFFF  }
0x96: {  	s16 =	sld [smem:$0x10];
	(tm) =	ssettm $0x1  }
0x97: {  	s17 =	sld [smem:$0x3FFB];
	_ =	sdelay $0x3  }
0x98: {  	_ =	strace s17  }
0x99: {  	s3 =	sld [smem:$0x3FFC];
	_ =	sdelay $0x3  }
0x9a: {  	_ =	strace s3  }
0x9b: {  	s3 =	sld [smem:$0x3FFD];
	_ =	sdelay $0x3  }
0x9c: {  	_ =	strace s3  }
0x9d: {  	_ =	strace $0x8FFFFFFF  }
0x9e: {  	s18 =	sld [smem:$0x3FDB];
	_ =	sdelay $0x1  }
0x9f: {  	s19 =	simm.s32 $_scs_section_size  }
0xa0: {  	s5 =	simm.s32 $_size__tile_overlayer_lowered;
	s6 =	simm.s32 $_tile_overlayer_lowered  }
0xa1: {  	s22 =	simm.s32 $0x1BFF;
	s21 =	sshll.u32 s6, $0x1;
	s3 =	sadd.s32 s19, s18  }
0xa2: {  	s7 =	simm.s32 $0x0;
	s20 =	sshll.u32 s5, $0x1;
	s5 =	sadd.s32 s21, s3  }
0xa3: {  	[timem:s7], [sflag:s22] =	dma.local [hbm:s5], s20  }
0xa4: {  	_ =	swait.ge [sflag:s22], s20  }
0xa5: {  	s4 =	ssub.s32 $0x0, s20;
	[sflag:s22] =	ssyncset.done $0x0  }
0xa6: {  	[sflag:s22] =	ssyncadd.s32 s4;
	_ =	sdelay $0x1  }
0xa7: {  	s23 =	simm.s32 $0x1B8B  }
0xa8: {  	_ =	swait.ge [sflag:s23], $0x1  }
0xa9: {  	[sflag:s23] =	ssyncset.done $0x0  }
0xaa: {  	s25 =	simm.s32 $0x1B8E;
	s24 =	sld [smem:$0x3FFE];
	[sflag:s23] =	ssyncadd.s32 $0xFFFFFFFF  }
0xab: {  	s26 =	simm.s32 $execute0_lowered;
	[smem:$0x3FD2] =	sst s25  }
0xac: {  	s5 =	sshll.u32 s26, $0x1;
	_ =	strace $0x80000046;
	[dreg:$0x1] =	wrdreg $0xFFFFFFFF  }
0xad: {  	s28 =	simm.s32 $_size_execute0_lowered;
	s3 =	sadd.s32 s3, s5;
	[dreg:$0x0] =	wrdreg $0x0  }
0xae: {  	s5 =	sshll.u32 s28, $0x1;
	[dreg:$0x2] =	wrdreg s3  }
0xaf: {  	[dreg:$0x3] =	wrdreg s5  }
0xb0: {  	[dreg:$0x4] =	wrdreg $0xC0  }
0xb1: {  	_ =	task [dreg:s7], $0x5FFFF  }
0xb2: {  	[dreg:$0x1] =	wrdreg $0xFFFFFFFF  }
0xb3: {  	[dreg:$0x0] =	wrdreg $0x60  }
0xb4: {  	[dreg:$0x2] =	wrdreg s24  }
0xb5: {  	[dreg:$0x3] =	wrdreg s16  }
0xb6: {  	[dreg:$0x4] =	wrdreg $0x100000  }
0xb7: {  	[dreg:$0x5] =	wrdreg $0x9  }
0xb8: {  	_ =	task.clear_ibuf [dreg:s7], $0x6FFFF;
	_ =	strace $0x90000046  }
0xb9: {  	s29 =	simm.s32 $0x9;
	_ =	strace $0x80000048  }
0xba: {  	_ =	swait.ge [sflag:s29], $0x1  }
0xbb: {  	[sflag:s29] =	ssyncadd.s32 $0xFFFFFFFF  }
0xbc: {  	_ =	strace $0x90000048  }
0xbd: {  	_ =	sfence  }
0xbe: {  	s30 =	sld [smem:$0x0];
	_ =	sdelay $0x2  }
0xbf: {  	s31 =	sshll.u32 s1, $0xD;
	s1 =	sshrl.u32 s1, $0x2  }
0xc0: {  	s3 =	sand.u32 $0x4000, s31;
	s1 =	sadd.s32 s1, s30  }
0xc1: {  	s0 =	sor.u32 s3, s0;
	s1 =	sshll.u32 s1, $0x11  }
0xc2: {  	s0 =	sor.u32 s1, s0  }
0xc3: {  	s0 =	sadd.s32 $0x8F2B, s0  }
0xc4: {  	[sflag:s0] =	ssyncadd.remote.s32 $0x1  }
0xc5: {  	_ =	sfence.sel $0xFFFF  }
0xc6: {  	[dreg:$0x0] =	wrdreg $0xFFFFFFFF;
	(pc) =	sbr.abs _section_cstart, $3  }
0xc7: {  	[dreg:$0x1] =	wrdreg $0xFFFFFFFF  }
0xc8: {  	_ =	task.clear_ibuf [dreg:s7], $0x2FFFF;
	_ =	strace $0x9FFFFFFF  }
0xc9: {  	(tm) =	ssettm $0x7FFFFFFF  }
tec
execute0_lowered:
.L_overlay_start_1:
0x0: {  	(tag) =	ssettag $0x1  }
0x1: {  	s5 =	srdreg.scid  }
0x2: {  	s5 =	sand.u32 $0x1, s5  }
0x3: {  	s3 =	rddreg [dreg:$0x0];
	s7 =	ssub.s32 $0x2, s5  }
0x4: {  	s4 =	rddreg [dreg:$0x1];
	s9 =	sshrl.u32 s7, $0x1  }
0x5: {  	s2 =	rddreg [dreg:$0x2];
	s7 =	ssub.s32 s7, s9  }
0x6: {  	s0 =	rddreg [dreg:$0x3];
	s1 =	simm.s32 $0x0;
	s31 =	smax.u32 s7, $0x1  }
0x7: {  	s6 =	stileid.u32;
	p1 =	por $0x0, $0x0;
	s14 =	sadd.s32 $0xFFFFFFFF, s31  }
0x8: {  	[smem:$0x7FF] =	sst s1;
	s8 =	sshll.u32 s6, $0xE;
	p2 =	sne.s32 s14, $0x0  }
.Ltmp0:
0x9: {  	s10 =	sadd.s32 $0x100000, s3;
	s5 =	sshll.u32 s5, $0xD;
	(pc) =	sbr.rel @!p2 .LBB2_3-.Ltmp0, $4  }
0xa: {  	p0 =	sne.s32 s6, $0x0;
	s6 =	simm.s32 $0x8000;
	s5 =	sor.u32 s5, s8  }
0xb: {  	_ =	strace $0x80000047;
	s9 =	sadd.s32 s4, s5;
	s11 =	sor.u32 $0x1000, s5  }
0xc: {  	s8 =	sadd.s32 s3, s5;
	s5 =	sadd.s32 s4, s11;
	s3 =	sadd.s32 s3, s11  }
0xd: {  	s11 =	sshrl.u32 @!p0 s2, $0x3;
	s4 =	simm.s32 $0x2;
	s7 =	simm.s32 $0x1  }
0xe: {  	s12 =	simm.s32 @!p0 $0x1C02;
	s13 =	simm.s32 @!p0 $0x2  }
0xf: {  	[spmem:s11], [sflag:s12] =	dma.local @!p0 [hbm:s10], $0x1000  }
0x10: {  	_ =	swait.ge @!p0 [sflag:s13], $0x1000  }
0x11: {  	[sflag:s13] =	ssyncset.done @!p0 $0x0  }
0x12: {  	[sflag:s13] =	ssyncadd.s32 @!p0 $0xFFFFF000  }
0x13: {  	[bflag:$0x0] =	sbarrier.arrive $0xFFFF  }
0x14: {  	[tilespmem:s1], [sflag:$0x2] =	stream.linear.gather [hbm4b:s9+s1], $0x8000, $0x38;
	[tilespmem:$0x10800] =	vst v63  }
0x15: {  	_ =	swait.ge [sflag:s4], $0x8000  }
0x16: {  	[sflag:s4] =	ssyncset.done $0x0  }
0x17: {  	[sflag:s4] =	ssyncadd.s32 $0xFFFF8000  }
0x18: {  	[tilespmem:s6], [sflag:$0x1] =	stream.indirect.gather [spmem:s2], $0x1, s1, s6, $0xb8;
	[tilespmem:$0x10800] =	vst v63  }
0x19: {  	_ =	swait.ge [sflag:s7], $0x8000  }
0x1a: {  	[sflag:s7] =	ssyncset.done $0x0  }
0x1b: {  	[sflag:s7] =	ssyncadd.s32 $0xFFFF8000  }
0x1c: {  	[hbm4b:s8+s1] =	stream.linear.scatter [tilespmem:s6], [sflag:$0x2], $0x8000, $0x38;
	[tilespmem:$0x10800] =	vst v63  }
0x1d: {  	_ =	swait.ge [sflag:s4], $0x8000  }
0x1e: {  	[sflag:s4] =	ssyncset.done $0x0  }
0x1f: {  	[sflag:s4] =	ssyncadd.s32 $0xFFFF8000  }
0x20: {  	[tilespmem:s1], [sflag:$0x2] =	stream.linear.gather [hbm4b:s5+s1], $0x8000, $0x38;
	[tilespmem:$0x10800] =	vst v63  }
0x21: {  	_ =	swait.ge [sflag:s4], $0x8000  }
0x22: {  	[sflag:s4] =	ssyncset.done $0x0  }
0x23: {  	s14 =	sadd.s32 $0xFFFFFFFF, s14;
	[sflag:s4] =	ssyncadd.s32 $0xFFFF8000  }
0x24: {  	[tilespmem:s6], [sflag:$0x1] =	stream.indirect.gather [spmem:s2], $0x1, s1, s6, $0xb8;
	[tilespmem:$0x10800] =	vst v63  }
0x25: {  	p2 =	sne.s32 s14, $0x0;
	_ =	swait.ge [sflag:s7], $0x8000  }
.Ltmp1:
0x26: {  	[sflag:s7] =	ssyncset.done $0x0;
	(pc) =	sbr.rel @!p2 .LBB2_3-.Ltmp1, $4  }
0x27: {  	[sflag:s7] =	ssyncadd.s32 $0xFFFF8000  }
0x28: {  	[hbm4b:s3+s1] =	stream.linear.scatter [tilespmem:s6], [sflag:$0x2], $0x8000, $0x38;
	[tilespmem:$0x10800] =	vst v63  }
0x29: {  	_ =	swait.ge [sflag:s4], $0x8000  }
0x2a: {  	p1 =	por $0x1, $0x1;
	[sflag:s4] =	ssyncset.done $0x0  }
.LBB2_2:
0x2b: {  	[sflag:s4] =	ssyncadd.s32 $0xFFFF8000  }
0x2c: {  	[spmem:s11], [sflag:s12] =	dma.local @!p0 [hbm:s10], $0x1000  }
0x2d: {  	s14 =	sadd.s32 $0xFFFFFFFF, s14;
	_ =	swait.ge @!p0 [sflag:s13], $0x1000  }
0x2e: {  	p2 =	sne.s32 s14, $0x0;
	[sflag:s13] =	ssyncset.done @!p0 $0x0  }
0x2f: {  	[sflag:s13] =	ssyncadd.s32 @!p0 $0xFFFFF000  }
0x30: {  	[bflag:$0x0] =	sbarrier.arrive $0xFFFF  }
0x31: {  	[tilespmem:s1], [sflag:$0x2] =	stream.linear.gather [hbm4b:s9+s1], $0x8000, $0x38;
	[tilespmem:$0x10800] =	vst v63  }
0x32: {  	_ =	swait.ge [sflag:s4], $0x8000  }
0x33: {  	[sflag:s4] =	ssyncset.done $0x0  }
0x34: {  	[sflag:s4] =	ssyncadd.s32 $0xFFFF8000  }
0x35: {  	[tilespmem:s6], [sflag:$0x1] =	stream.indirect.gather [spmem:s2], $0x1, s1, s6, $0xb8;
	[tilespmem:$0x10800] =	vst v63  }
0x36: {  	_ =	swait.ge [sflag:s7], $0x8000  }
0x37: {  	[sflag:s7] =	ssyncset.done $0x0  }
0x38: {  	[sflag:s7] =	ssyncadd.s32 $0xFFFF8000  }
0x39: {  	[hbm4b:s8+s1] =	stream.linear.scatter [tilespmem:s6], [sflag:$0x2], $0x8000, $0x38;
	[tilespmem:$0x10800] =	vst v63  }
0x3a: {  	_ =	swait.ge [sflag:s4], $0x8000  }
0x3b: {  	[sflag:s4] =	ssyncset.done $0x0  }
0x3c: {  	[sflag:s4] =	ssyncadd.s32 $0xFFFF8000  }
0x3d: {  	[tilespmem:s1], [sflag:$0x2] =	stream.linear.gather [hbm4b:s5+s1], $0x8000, $0x38;
	[tilespmem:$0x10800] =	vst v63  }
0x3e: {  	_ =	swait.ge [sflag:s4], $0x8000  }
0x3f: {  	[sflag:s4] =	ssyncset.done $0x0  }
0x40: {  	[sflag:s4] =	ssyncadd.s32 $0xFFFF8000  }
0x41: {  	[tilespmem:s6], [sflag:$0x1] =	stream.indirect.gather [spmem:s2], $0x1, s1, s6, $0xb8;
	[tilespmem:$0x10800] =	vst v63  }
0x42: {  	_ =	swait.ge [sflag:s7], $0x8000  }
.Ltmp2:
0x43: {  	[sflag:s7] =	ssyncset.done $0x0;
	(pc) =	sbr.rel @p2 .LBB2_2-.Ltmp2, $4  }
0x44: {  	[sflag:s7] =	ssyncadd.s32 $0xFFFF8000  }
0x45: {  	[hbm4b:s3+s1] =	stream.linear.scatter [tilespmem:s6], [sflag:$0x2], $0x8000, $0x38;
	[tilespmem:$0x10800] =	vst v63  }
0x46: {  	_ =	swait.ge [sflag:s4], $0x8000  }
0x47: {  	[sflag:s4] =	ssyncset.done $0x0  }
.LBB2_3:
0x48: {  	s12 =	simm.s32 @!p0 $0x1C02;
	s13 =	simm.s32 @!p0 $0x2;
	[sflag:s4] =	ssyncadd.s32 @p1 $0xFFFF8000  }
0x49: {  	[spmem:s11], [sflag:s12] =	dma.local @!p0 [hbm:s10], $0x1000  }
0x4a: {  	_ =	swait.ge @!p0 [sflag:s13], $0x1000  }
0x4b: {  	[sflag:s13] =	ssyncset.done @!p0 $0x0  }
0x4c: {  	[sflag:s13] =	ssyncadd.s32 @!p0 $0xFFFFF000  }
0x4d: {  	[bflag:$0x0] =	sbarrier.arrive $0xFFFF  }
0x4e: {  	[tilespmem:s1], [sflag:$0x2] =	stream.linear.gather [hbm4b:s9+s1], $0x8000, $0x38;
	[tilespmem:$0x10800] =	vst v63  }
0x4f: {  	_ =	swait.ge [sflag:s4], $0x8000  }
0x50: {  	[sflag:s4] =	ssyncset.done $0x0  }
0x51: {  	[sflag:s4] =	ssyncadd.s32 $0xFFFF8000  }
0x52: {  	[tilespmem:s6], [sflag:$0x1] =	stream.indirect.gather [spmem:s2], $0x1, s1, s6, $0xb8;
	[tilespmem:$0x10800] =	vst v63  }
0x53: {  	_ =	swait.ge [sflag:s7], $0x8000  }
0x54: {  	[sflag:s7] =	ssyncset.done $0x0  }
0x55: {  	[sflag:s7] =	ssyncadd.s32 $0xFFFF8000  }
0x56: {  	[hbm4b:s8+s1] =	stream.linear.scatter [tilespmem:s6], [sflag:$0x2], $0x8000, $0x38;
	[tilespmem:$0x10800] =	vst v63  }
0x57: {  	_ =	swait.ge [sflag:s4], $0x8000  }
0x58: {  	[sflag:s4] =	ssyncset.done $0x0  }
0x59: {  	[sflag:s4] =	ssyncadd.s32 $0xFFFF8000  }
0x5a: {  	[tilespmem:s1], [sflag:$0x2] =	stream.linear.gather [hbm4b:s5+s1], $0x8000, $0x38;
	[tilespmem:$0x10800] =	vst v63  }
0x5b: {  	_ =	swait.ge [sflag:s4], $0x8000  }
0x5c: {  	[sflag:s4] =	ssyncset.done $0x0  }
0x5d: {  	[sflag:s4] =	ssyncadd.s32 $0xFFFF8000  }
0x5e: {  	[tilespmem:s6], [sflag:$0x1] =	stream.indirect.gather [spmem:s2], $0x1, s1, s6, $0xb8;
	[tilespmem:$0x10800] =	vst v63  }
0x5f: {  	_ =	swait.ge [sflag:s7], $0x8000  }
0x60: {  	[sflag:s7] =	ssyncset.done $0x0  }
0x61: {  	[sflag:s7] =	ssyncadd.s32 $0xFFFF8000  }
0x62: {  	[hbm4b:s3+s1] =	stream.linear.scatter [tilespmem:s6], [sflag:$0x2], $0x8000, $0x38;
	[tilespmem:$0x10800] =	vst v63  }
0x63: {  	_ =	swait.ge [sflag:s4], $0x8000  }
0x64: {  	[sflag:s4] =	ssyncset.done $0x0  }
0x65: {  	[sflag:s4] =	ssyncadd.s32 $0xFFFF8000  }
0x66: {  	_ =	sfence.sel $0x180000  }
0x67: {  	[bflag:$0x0] =	sbarrier.arrive $0xFFFF  }
0x68: {  	_ =	strace $0x90000047  }
0x69: {  	s0 =	sadd.s32 @!p0 $0x100000, s0;
	[bflag:$0x2] =	sbarrier.arrive $0xFFFF  }
0x6a: {  	[sflag:s0] =	ssyncadd.tile.s32 @!p0 $0x1;
	_ =	shalt  }
.Lfunc_end2:
_tile_overlayer_lowered:
.L_overlay_start_2:
0x6b: {  	(tag) =	ssettag $0x2  }
0x6c: {  	s0 =	rddreg [dreg:$0x0];
	s2 =	stileid.u32  }
0x6d: {  	s1 =	rddreg [dreg:$0x1];
	p0 =	sne.s32 s2, $0x0  }
0x6e: {  	s3 =	rddreg [dreg:$0x2];
	[bflag:$0x3] =	sbarrier.arrive $0xFFFF;
	s2 =	simm.s32 @!p0 $0x1C02  }
0x6f: {  	[timem:s3], [sflag:s2] =	dma.local @!p0 [hbm:s0], s1  }
0x70: {  	s0 =	simm.s32 @!p0 $0x2  }
0x71: {  	_ =	swait.ge @!p0 [sflag:s0], s1  }
0x72: {  	s1 =	ssub.s32 @!p0 $0x0, s1;
	[sflag:s0] =	ssyncset.done @!p0 $0x0  }
0x73: {  	[sflag:s0] =	ssyncadd.s32 @!p0 s1  }
0x74: {  	[bflag:$0x3] =	sbarrier.arrive $0xFFFF  }
0x75: {  	_ =	shalt  }

</sc_bundles>
